<compile_context>
chip_gen: v7x
topology: tpu7x:2x2x1
jax: 0.10.2.dev20260603
libtpu: 0.0.44.dev20260713+nightly
codegen_flags: <defaults>
</compile_context>

<pallas_src>
import functools

import jax
import jax.numpy as jnp
from jax import lax
from jax.experimental import pallas as pl
from jax.experimental.pallas import tpu as pltpu
from jax.experimental.pallas import tpu_sc as plsc

_B, _N, _C, _A = 16, 8192, 80, 64
_NV = 48


def _sc_scatter_counts(ann_t, zeros_n):
    mesh = plsc.VectorSubcoreMesh(core_axis_name="c", subcore_axis_name="s")

    @functools.partial(
        pl.kernel,
        mesh=mesh,
        out_type=jax.ShapeDtypeStruct((_B, 1, _N), jnp.float32),
        scratch_types=[
            pltpu.VMEM((_A,), jnp.float32),
            pltpu.VMEM((_A,), jnp.float32),
            pltpu.VMEM((_N,), jnp.float32),
        ],
        compiler_params=pltpu.CompilerParams(use_tc_tiling_on_sc=False,
                                             needs_layout_passes=False),
    )
    def k(ann_hbm, zeros_hbm, w_hbm, s_v, e_v, w_v):
        cid = lax.axis_index("c")
        sid = lax.axis_index("s")
        wid = sid * 2 + cid

        @pl.when(wid < _B)
        def _():
            b = wid
            pltpu.sync_copy(zeros_hbm, w_v)
            pltpu.sync_copy(ann_hbm.at[b, 0], s_v)
            pltpu.sync_copy(ann_hbm.at[b, 1], e_v)
            ones = jnp.ones((16,), jnp.float32)
            for j in range(_NV // 16):
                sv = s_v[pl.ds(j * 16, 16)]
                ev = e_v[pl.ds(j * 16, 16)]
                tp = ((sv + ev) * 0.5) * 100.0
                plsc.addupdate_scatter(w_v, [tp.astype(jnp.int32)], ones)
            pltpu.sync_copy(w_v, w_hbm.at[b, 0])

    return k(ann_t, zeros_n)


def _smooth_l1(d):
    return jnp.where(d <= 1.0, 0.5 * d * d, d - 0.5)


def _tc_body(ct_ref, rt_ref, ann_ref, sums_ref, scol_ref, acc_ref):
    b = pl.program_id(0)

    @pl.when(b == 0)
    def _init():
        acc_ref[0] = 0.0
        acc_ref[1] = 0.0

    xc = jnp.clip(ct_ref[0], 0.0001, 1.0 - 0.0001)
    part = jnp.sum(xc * xc * jnp.log(1.0 - xc))

    ann = ann_ref[0]
    s = ann[0:1, :]
    e = ann[1:2, :]
    cl = ann[2:3, :]
    pii = (((s + e) * 0.5) * 100.0).astype(jnp.int32)
    pif = pii.astype(jnp.float32)
    clf = cl.astype(jnp.int32).astype(jnp.float32)
    lane = lax.broadcasted_iota(jnp.int32, (1, _A), 1)
    validl = (lane < _NV).astype(jnp.float32)
    keyl = pif * float(_C) + clf

    ident = (lax.broadcasted_iota(jnp.int32, (_A, _A), 0)
             == lax.broadcasted_iota(jnp.int32, (_A, _A), 1)).astype(jnp.float32)

    def to_sub(v):
        return jnp.sum(ident * v, axis=1, keepdims=True)

    key_s = to_sub(keyl)
    pi_s = to_sub(pif)
    valid_s = to_sub(validl)
    js = lax.broadcasted_iota(jnp.int32, (_A, _A), 0)
    ks = lax.broadcasted_iota(jnp.int32, (_A, _A), 1)
    dup = (key_s == keyl) & (js < ks) & (valid_s > 0.0)
    dup_l = jnp.sum(dup.astype(jnp.float32), axis=0, keepdims=True)
    m_l = validl * (dup_l == 0.0).astype(jnp.float32)
    cntm = (pi_s == pif) & (valid_s > 0.0)
    cnt_l = jnp.sum(cntm.astype(jnp.float32), axis=0, keepdims=True)

    m_s = to_sub(m_l)[:_NV, :]
    cnt_s = to_sub(cnt_l)[:_NV, :]
    cl_s = to_sub(clf)[:_NV, :].astype(jnp.int32)
    pi_si = pi_s[:_NV, :].astype(jnp.int32)

    ohc = (lax.broadcasted_iota(jnp.int32, (_NV, _C), 1)
           == cl_s).astype(jnp.float32)
    oh48 = lax.broadcasted_iota(jnp.int32, (_NV, _N), 1) == pi_si

    rowsc = jnp.dot(ohc, xc, preferred_element_type=jnp.float32,
                    precision=lax.Precision.HIGHEST)
    cg = jnp.sum(jnp.where(oh48, rowsc, 0.0), axis=1, keepdims=True)

    rr = rt_ref[0]
    rowsr = jnp.dot(ohc, rr, preferred_element_type=jnp.float32,
                    precision=lax.Precision.HIGHEST)
    g = jnp.sum(jnp.where(oh48, rowsr, 0.0), axis=1, keepdims=True)

    scol_ref[0] = jnp.sum(_smooth_l1(jnp.abs(rr)), axis=0, keepdims=True)

    l1 = -0.25 * (1.0 - cg) * (1.0 - cg) * jnp.log(cg)
    l0 = -0.75 * cg * cg * jnp.log(1.0 - cg)
    cls_corr = jnp.sum(m_s * (l1 - l0))
    reg_corr = jnp.sum(m_s * cnt_s * (_smooth_l1(jnp.abs(1.0 - g))
                                      - _smooth_l1(jnp.abs(g))))

    acc_ref[0] = acc_ref[0] + (-0.75) * part + cls_corr
    acc_ref[1] = acc_ref[1] + reg_corr

    @pl.when(b == _B - 1)
    def _fin():
        sums_ref[0, 0] = acc_ref[0]
        sums_ref[0, 1] = acc_ref[1]


def _final_body(w_ref, scol_ref, sums_ref, out_cls_ref, out_reg_ref):
    reg_base = jnp.sum(w_ref[...] * scol_ref[...])
    out_cls_ref[0, 0] = sums_ref[0, 0] / float(_NV * _B)
    out_reg_ref[0, 0] = (reg_base + sums_ref[0, 1]) / float(_NV * _C * _B)


def _tc_call_kwargs():
    return dict(
        grid=(_B,),
        in_specs=[
            pl.BlockSpec((1, _C, _N), lambda b: (b, 0, 0)),
            pl.BlockSpec((1, _C, _N), lambda b: (b, 0, 0)),
            pl.BlockSpec((1, 3, _A), lambda b: (b, 0, 0)),
        ],
        out_specs=[
            pl.BlockSpec(memory_space=pltpu.SMEM),
            pl.BlockSpec((1, 1, _N), lambda b: (b, 0, 0)),
        ],
        out_shape=[
            jax.ShapeDtypeStruct((1, 2), jnp.float32),
            jax.ShapeDtypeStruct((_B, 1, _N), jnp.float32),
        ],
        scratch_shapes=[pltpu.SMEM((2,), jnp.float32)],
    )


def _final_call_kwargs():
    return dict(
        grid=(1,),
        in_specs=[
            pl.BlockSpec((_B, 1, _N), lambda i: (0, 0, 0)),
            pl.BlockSpec((_B, 1, _N), lambda i: (0, 0, 0)),
            pl.BlockSpec(memory_space=pltpu.SMEM),
        ],
        out_specs=[
            pl.BlockSpec(memory_space=pltpu.SMEM),
            pl.BlockSpec(memory_space=pltpu.SMEM),
        ],
        out_shape=[
            jax.ShapeDtypeStruct((1, 1), jnp.float32),
            jax.ShapeDtypeStruct((1, 1), jnp.float32),
        ],
    )


def kernel(classifications, regressions, annotations):
    ann_t = annotations.transpose(0, 2, 1)
    zeros_n = jnp.zeros((_N,), jnp.float32)
    w = _sc_scatter_counts(ann_t, zeros_n)

    ct = classifications.transpose(0, 2, 1)
    rt = regressions.transpose(0, 2, 1)
    sums, scol = pl.pallas_call(_tc_body, **_tc_call_kwargs())(ct, rt, ann_t)
    out_c, out_r = pl.pallas_call(_final_body, **_final_call_kwargs())(
        w, scol, sums)
    return out_c.reshape(1), out_r.reshape(1)

# --- scband reference (transcript-rebuilt; emitter-appended) ---
"""Pipeline reference for scband-focal-loss-40450001993951 (READ-ONLY COPY).

The authoritative reference and input builder live on the scoring server;
editing this copy changes nothing except your own understanding.
"""

import jax, jax.numpy as jnp
import numpy as np

ALPHA = 0.25
GAMMA = 2.0


def setup_inputs(seed: int = 0):
    key = jax.random.key(seed)
    k1, k2, k3, k4 = jax.random.split(key, 4)
    B, N, C, A = 16, 8192, 80, 64
    classifications = jax.random.uniform(k1, (B, N, C), dtype=jnp.float32, minval=0.001, maxval=0.999)
    regressions = jax.random.normal(k2, (B, N, C), dtype=jnp.float32)
    starts = jax.random.uniform(k3, (B, A), dtype=jnp.float32, minval=0.0, maxval=79.9)
    ends = starts + 0.01
    classes = jax.random.randint(k4, (B, A), 0, C).astype(jnp.float32)
    classes = classes.at[:, A - 16:].set(-1.0)
    annotations = jnp.stack([starts, ends, classes], axis=-1)
    return {"classifications": classifications, "regressions": regressions, "annotations": annotations}


def _per_sample(classification, regression, bline_annotation):
    # drop padded annotations (class == -1)
    num_valid = bline_annotation.shape[0] - 16
    bline_annotation = bline_annotation[:num_valid]
    valid = bline_annotation[:, 2] != -1
    classification = jnp.clip(classification, 0.0001, 1.0 - 0.0001)
    beat_lines = bline_annotation[:, :2]
    beat_timepoints = (beat_lines[:, 0] + beat_lines[:, 1]) / 2.0
    positive_indices = jnp.floor(beat_timepoints * 100.0).astype(jnp.int32)
    targets = jnp.zeros(classification.shape, dtype=classification.dtype)
    targets = targets.at[positive_indices, bline_annotation[:, 2].astype(jnp.int32)].set(jnp.where(valid, 1.0, 0.0))
    num_positive_anchors = positive_indices.shape[0]
    alpha_factor = jnp.where(targets == 1.0, ALPHA, 1.0 - ALPHA)
    focal_weight = jnp.where(targets == 1.0, 1.0 - classification, classification)
    focal_weight = alpha_factor * jnp.power(focal_weight, GAMMA)
    bce = -(targets * jnp.log(classification) + (1.0 - targets) * jnp.log(1.0 - classification))
    cls_loss = (focal_weight * bce).sum() / jnp.maximum(jnp.float32(num_positive_anchors), 1.0)
    regression_diff = jnp.abs(targets[positive_indices, :] - regression[positive_indices, :])
    regression_loss = jnp.where(regression_diff <= 1.0, 0.5 * jnp.power(regression_diff, 2), regression_diff - 0.5).mean()
    return cls_loss, regression_loss


def reference(classifications, regressions, annotations):
    batch_size = classifications.shape[0]
    classification_losses = []
    regression_losses = []
    for j in range(batch_size):
        c, r = _per_sample(classifications[j], regressions[j], annotations[j])
        classification_losses.append(c)
        regression_losses.append(r)
    return (jnp.stack(classification_losses).mean(keepdims=True),
            jnp.stack(regression_losses).mean(keepdims=True))

if __name__ == "__main__":
    import jax
    _d = setup_inputs()
    print(jax.jit(kernel)(*tuple(_d.values())))

</pallas_src>

<mosaic_0001>
#map = affine_map<(d0, d1) -> (0, 0, 0)>
#map1 = affine_map<(d0, d1) -> (0)>
module attributes {stable_mosaic.version = 14 : i64} {
  func.func @k(%arg0: i32, %arg1: i32, %arg2: memref<16x3x64xf32, #tpu.memory_space<hbm>>, %arg3: memref<8192xf32, #tpu.memory_space<hbm>>, %arg4: memref<16x1x8192xf32, #tpu.memory_space<hbm>>, %arg5: memref<64xf32, #tpu.memory_space<vmem>>, %arg6: memref<64xf32, #tpu.memory_space<vmem>>, %arg7: memref<8192xf32, #tpu.memory_space<vmem>>) attributes {dimension_semantics = [#tpu.dimension_semantics<core_parallel>, #tpu.dimension_semantics<subcore_parallel>], iteration_bounds = array<i64: 2, 16>, scalar_prefetch = 0 : i64, scratch_operands = 3 : i64, tpu.core_type = #tpu.core_type<sc_vector_subcore>, window_params = [{transform_indices = #map}, {transform_indices = #map1}, {transform_indices = #map}]} {
    %mul3A = arith.constant 2 : i32
    %mul3A_0 = arith.muli %arg1, %mul3A : i32
    %add3A = arith.addi %mul3A_0, %arg0 : i32
    %lt3A = arith.constant 16 : i32
    %lt3A_1 = arith.cmpi slt, %add3A, %lt3A : i32
    %convert_element_type3A = arith.extui %lt3A_1 : i1 to i32
    %cond3A = arith.constant 0 : i32
    %cond3A_2 = arith.cmpi ne, %convert_element_type3A, %cond3A : i32
    scf.if %cond3A_2 {
      "tpu.region"() ({
        %run_scoped3A_41 = tpu.sem_alloc : memref<!tpu.dma_semaphore, #tpu.memory_space<semaphore_mem>>
        tpu.enqueue_dma source(%arg3 : memref<8192xf32, #tpu.memory_space<hbm>>) target(%arg7 : memref<8192xf32, #tpu.memory_space<vmem>>) target_semaphore(%run_scoped3A_41 : memref<!tpu.dma_semaphore, #tpu.memory_space<semaphore_mem>>)
        tpu.wait_dma2 semaphore(%run_scoped3A_41 : memref<!tpu.dma_semaphore, #tpu.memory_space<semaphore_mem>>) src(%arg3 : memref<8192xf32, #tpu.memory_space<hbm>>) dst(%arg7 : memref<8192xf32, #tpu.memory_space<vmem>>)
        tpu.yield
      }) : () -> ()
      %run_scoped3A = arith.constant 0 : i32
      "tpu.region"() ({
        %run_scoped3A_41 = tpu.sem_alloc : memref<!tpu.dma_semaphore, #tpu.memory_space<semaphore_mem>>
        %dma_start3A = arith.constant 0 : i32
        %dma_start3A_42 = tpu.memref_slice %arg2[%add3A, %run_scoped3A, %dma_start3A] : memref<16x3x64xf32, #tpu.memory_space<hbm>> -> memref<1x1x64xf32, #tpu.memory_space<hbm>>
        %dma_start3A_43 = tpu.memref_squeeze %dma_start3A_42 : memref<1x1x64xf32, #tpu.memory_space<hbm>> -> memref<64xf32, #tpu.memory_space<hbm>>
        %dma_start3A_44 = arith.constant 0 : i32
        %dma_start3A_45 = tpu.memref_slice %arg2[%add3A, %run_scoped3A, %dma_start3A_44] : memref<16x3x64xf32, #tpu.memory_space<hbm>> -> memref<1x1x64xf32, #tpu.memory_space<hbm>>
        %dma_start3A_46 = tpu.memref_squeeze %dma_start3A_45 : memref<1x1x64xf32, #tpu.memory_space<hbm>> -> memref<64xf32, #tpu.memory_space<hbm>>
        tpu.enqueue_dma source(%dma_start3A_46 : memref<64xf32, #tpu.memory_space<hbm>>) target(%arg5 : memref<64xf32, #tpu.memory_space<vmem>>) target_semaphore(%run_scoped3A_41 : memref<!tpu.dma_semaphore, #tpu.memory_space<semaphore_mem>>)
        %dma_wait3A = arith.constant 0 : i32
        %dma_wait3A_47 = tpu.memref_slice %arg2[%add3A, %run_scoped3A, %dma_wait3A] : memref<16x3x64xf32, #tpu.memory_space<hbm>> -> memref<1x1x64xf32, #tpu.memory_space<hbm>>
        %dma_wait3A_48 = tpu.memref_squeeze %dma_wait3A_47 : memref<1x1x64xf32, #tpu.memory_space<hbm>> -> memref<64xf32, #tpu.memory_space<hbm>>
        %dma_wait3A_49 = arith.constant 0 : i32
        %dma_wait3A_50 = tpu.memref_slice %arg2[%add3A, %run_scoped3A, %dma_wait3A_49] : memref<16x3x64xf32, #tpu.memory_space<hbm>> -> memref<1x1x64xf32, #tpu.memory_space<hbm>>
        %dma_wait3A_51 = tpu.memref_squeeze %dma_wait3A_50 : memref<1x1x64xf32, #tpu.memory_space<hbm>> -> memref<64xf32, #tpu.memory_space<hbm>>
        tpu.wait_dma2 semaphore(%run_scoped3A_41 : memref<!tpu.dma_semaphore, #tpu.memory_space<semaphore_mem>>) src(%dma_wait3A_51 : memref<64xf32, #tpu.memory_space<hbm>>) dst(%arg5 : memref<64xf32, #tpu.memory_space<vmem>>)
        tpu.yield
      }) : () -> ()
      %run_scoped3A_3 = arith.constant 1 : i32
      "tpu.region"() ({
        %run_scoped3A_41 = tpu.sem_alloc : memref<!tpu.dma_semaphore, #tpu.memory_space<semaphore_mem>>
        %dma_start3A = arith.constant 0 : i32
        %dma_start3A_42 = tpu.memref_slice %arg2[%add3A, %run_scoped3A_3, %dma_start3A] : memref<16x3x64xf32, #tpu.memory_space<hbm>> -> memref<1x1x64xf32, #tpu.memory_space<hbm>>
        %dma_start3A_43 = tpu.memref_squeeze %dma_start3A_42 : memref<1x1x64xf32, #tpu.memory_space<hbm>> -> memref<64xf32, #tpu.memory_space<hbm>>
        %dma_start3A_44 = arith.constant 0 : i32
        %dma_start3A_45 = tpu.memref_slice %arg2[%add3A, %run_scoped3A_3, %dma_start3A_44] : memref<16x3x64xf32, #tpu.memory_space<hbm>> -> memref<1x1x64xf32, #tpu.memory_space<hbm>>
        %dma_start3A_46 = tpu.memref_squeeze %dma_start3A_45 : memref<1x1x64xf32, #tpu.memory_space<hbm>> -> memref<64xf32, #tpu.memory_space<hbm>>
        tpu.enqueue_dma source(%dma_start3A_46 : memref<64xf32, #tpu.memory_space<hbm>>) target(%arg6 : memref<64xf32, #tpu.memory_space<vmem>>) target_semaphore(%run_scoped3A_41 : memref<!tpu.dma_semaphore, #tpu.memory_space<semaphore_mem>>)
        %dma_wait3A = arith.constant 0 : i32
        %dma_wait3A_47 = tpu.memref_slice %arg2[%add3A, %run_scoped3A_3, %dma_wait3A] : memref<16x3x64xf32, #tpu.memory_space<hbm>> -> memref<1x1x64xf32, #tpu.memory_space<hbm>>
        %dma_wait3A_48 = tpu.memref_squeeze %dma_wait3A_47 : memref<1x1x64xf32, #tpu.memory_space<hbm>> -> memref<64xf32, #tpu.memory_space<hbm>>
        %dma_wait3A_49 = arith.constant 0 : i32
        %dma_wait3A_50 = tpu.memref_slice %arg2[%add3A, %run_scoped3A_3, %dma_wait3A_49] : memref<16x3x64xf32, #tpu.memory_space<hbm>> -> memref<1x1x64xf32, #tpu.memory_space<hbm>>
        %dma_wait3A_51 = tpu.memref_squeeze %dma_wait3A_50 : memref<1x1x64xf32, #tpu.memory_space<hbm>> -> memref<64xf32, #tpu.memory_space<hbm>>
        tpu.wait_dma2 semaphore(%run_scoped3A_41 : memref<!tpu.dma_semaphore, #tpu.memory_space<semaphore_mem>>) src(%dma_wait3A_51 : memref<64xf32, #tpu.memory_space<hbm>>) dst(%arg6 : memref<64xf32, #tpu.memory_space<vmem>>)
        tpu.yield
      }) : () -> ()
      %broadcast_in_dim3A = arith.constant 1.000000e+00 : f32
      %broadcast_in_dim3A_4 = vector.broadcast %broadcast_in_dim3A : f32 to vector<16xf32>
      %get3A = arith.constant 0 : index
      %get3A_5 = tpu.vector_load %arg5[%get3A] {strides = array<i32>} : memref<64xf32, #tpu.memory_space<vmem>>, vector<16xf32>,
      %get3A_6 = arith.constant 0 : index
      %get3A_7 = tpu.vector_load %arg6[%get3A_6] {strides = array<i32>} : memref<64xf32, #tpu.memory_space<vmem>>, vector<16xf32>,
      %add3A_8 = arith.addf %get3A_5, %get3A_7 : vector<16xf32>
      %mul3A_9 = arith.constant 5.000000e-01 : f32
      %mul3A_10 = vector.broadcast %mul3A_9 : f32 to vector<16xf32>
      %mul3A_11 = arith.mulf %add3A_8, %mul3A_10 : vector<16xf32>
      %mul3A_12 = arith.constant 1.000000e+02 : f32
      %mul3A_13 = vector.broadcast %mul3A_12 : f32 to vector<16xf32>
      %mul3A_14 = arith.mulf %mul3A_11, %mul3A_13 : vector<16xf32>
      %convert_element_type3A_15 = arith.fptosi %mul3A_14 : vector<16xf32> to vector<16xi32>
      tpu.vector_store_idx %arg7[%convert_element_type3A_15], %broadcast_in_dim3A_4 {add = true} : memref<8192xf32, #tpu.memory_space<vmem>>[vector<16xi32>], vector<16xf32>,
      %get3A_16 = arith.constant 16 : index
      %get3A_17 = tpu.vector_load %arg5[%get3A_16] {strides = array<i32>} : memref<64xf32, #tpu.memory_space<vmem>>, vector<16xf32>,
      %get3A_18 = arith.constant 16 : index
      %get3A_19 = tpu.vector_load %arg6[%get3A_18] {strides = array<i32>} : memref<64xf32, #tpu.memory_space<vmem>>, vector<16xf32>,
      %add3A_20 = arith.addf %get3A_17, %get3A_19 : vector<16xf32>
      %mul3A_21 = arith.constant 5.000000e-01 : f32
      %mul3A_22 = vector.broadcast %mul3A_21 : f32 to vector<16xf32>
      %mul3A_23 = arith.mulf %add3A_20, %mul3A_22 : vector<16xf32>
      %mul3A_24 = arith.constant 1.000000e+02 : f32
      %mul3A_25 = vector.broadcast %mul3A_24 : f32 to vector<16xf32>
      %mul3A_26 = arith.mulf %mul3A_23, %mul3A_25 : vector<16xf32>
      %convert_element_type3A_27 = arith.fptosi %mul3A_26 : vector<16xf32> to vector<16xi32>
      tpu.vector_store_idx %arg7[%convert_element_type3A_27], %broadcast_in_dim3A_4 {add = true} : memref<8192xf32, #tpu.memory_space<vmem>>[vector<16xi32>], vector<16xf32>,
      %get3A_28 = arith.constant 32 : index
      %get3A_29 = tpu.vector_load %arg5[%get3A_28] {strides = array<i32>} : memref<64xf32, #tpu.memory_space<vmem>>, vector<16xf32>,
      %get3A_30 = arith.constant 32 : index
      %get3A_31 = tpu.vector_load %arg6[%get3A_30] {strides = array<i32>} : memref<64xf32, #tpu.memory_space<vmem>>, vector<16xf32>,
      %add3A_32 = arith.addf %get3A_29, %get3A_31 : vector<16xf32>
      %mul3A_33 = arith.constant 5.000000e-01 : f32
      %mul3A_34 = vector.broadcast %mul3A_33 : f32 to vector<16xf32>
      %mul3A_35 = arith.mulf %add3A_32, %mul3A_34 : vector<16xf32>
      %mul3A_36 = arith.constant 1.000000e+02 : f32
      %mul3A_37 = vector.broadcast %mul3A_36 : f32 to vector<16xf32>
      %mul3A_38 = arith.mulf %mul3A_35, %mul3A_37 : vector<16xf32>
      %convert_element_type3A_39 = arith.fptosi %mul3A_38 : vector<16xf32> to vector<16xi32>
      tpu.vector_store_idx %arg7[%convert_element_type3A_39], %broadcast_in_dim3A_4 {add = true} : memref<8192xf32, #tpu.memory_space<vmem>>[vector<16xi32>], vector<16xf32>,
      %run_scoped3A_40 = arith.constant 0 : i32
      "tpu.region"() ({
        %run_scoped3A_41 = tpu.sem_alloc : memref<!tpu.dma_semaphore, #tpu.memory_space<semaphore_mem>>
        %dma_start3A = arith.constant 0 : i32
        %dma_start3A_42 = tpu.memref_slice %arg4[%add3A, %run_scoped3A_40, %dma_start3A] : memref<16x1x8192xf32, #tpu.memory_space<hbm>> -> memref<1x1x8192xf32, #tpu.memory_space<hbm>>
        %dma_start3A_43 = tpu.memref_squeeze %dma_start3A_42 : memref<1x1x8192xf32, #tpu.memory_space<hbm>> -> memref<8192xf32, #tpu.memory_space<hbm>>
        %dma_start3A_44 = arith.constant 0 : i32
        %dma_start3A_45 = tpu.memref_slice %arg4[%add3A, %run_scoped3A_40, %dma_start3A_44] : memref<16x1x8192xf32, #tpu.memory_space<hbm>> -> memref<1x1x8192xf32, #tpu.memory_space<hbm>>
        %dma_start3A_46 = tpu.memref_squeeze %dma_start3A_45 : memref<1x1x8192xf32, #tpu.memory_space<hbm>> -> memref<8192xf32, #tpu.memory_space<hbm>>
        tpu.enqueue_dma source(%arg7 : memref<8192xf32, #tpu.memory_space<vmem>>) target(%dma_start3A_46 : memref<8192xf32, #tpu.memory_space<hbm>>) target_semaphore(%run_scoped3A_41 : memref<!tpu.dma_semaphore, #tpu.memory_space<semaphore_mem>>)
        %dma_wait3A = arith.constant 0 : i32
        %dma_wait3A_47 = tpu.memref_slice %arg4[%add3A, %run_scoped3A_40, %dma_wait3A] : memref<16x1x8192xf32, #tpu.memory_space<hbm>> -> memref<1x1x8192xf32, #tpu.memory_space<hbm>>
        %dma_wait3A_48 = tpu.memref_squeeze %dma_wait3A_47 : memref<1x1x8192xf32, #tpu.memory_space<hbm>> -> memref<8192xf32, #tpu.memory_space<hbm>>
        %dma_wait3A_49 = arith.constant 0 : i32
        %dma_wait3A_50 = tpu.memref_slice %arg4[%add3A, %run_scoped3A_40, %dma_wait3A_49] : memref<16x1x8192xf32, #tpu.memory_space<hbm>> -> memref<1x1x8192xf32, #tpu.memory_space<hbm>>
        %dma_wait3A_51 = tpu.memref_squeeze %dma_wait3A_50 : memref<1x1x8192xf32, #tpu.memory_space<hbm>> -> memref<8192xf32, #tpu.memory_space<hbm>>
        tpu.wait_dma2 semaphore(%run_scoped3A_41 : memref<!tpu.dma_semaphore, #tpu.memory_space<semaphore_mem>>) src(%arg7 : memref<8192xf32, #tpu.memory_space<vmem>>) dst(%dma_wait3A_51 : memref<8192xf32, #tpu.memory_space<hbm>>)
        tpu.yield
      }) : () -> ()
    } else {
    }
    return
  }
}

module attributes {stable_mosaic.version = 14 : i64} {
  func.func @_final_body(%arg0: i32, %arg1: memref<16x1x8192xf32, #tpu.memory_space<vmem>>, %arg2: memref<16x1x8192xf32, #tpu.memory_space<vmem>>, %arg3: memref<1x2xf32, #tpu.memory_space<smem>>, %arg4: memref<1x1xf32, #tpu.memory_space<smem>>, %arg5: memref<1x1xf32, #tpu.memory_space<smem>>) attributes {dimension_semantics = [#tpu.dimension_semantics<arbitrary>], iteration_bounds = array<i64: 1>, scalar_prefetch = 0 : i64, scratch_operands = 0 : i64, tpu.core_type = #tpu.core_type<tc>, window_params = [{pipeline_mode = #tpu.pipeline_mode<synchronous>, transform_indices = @transform_0, window_bounds = array<i64: 16, 1, 8192>}, {pipeline_mode = #tpu.pipeline_mode<synchronous>, transform_indices = @transform_1, window_bounds = array<i64: 16, 1, 8192>}, {transform_indices = @transform_2, window_bounds = array<i64: 1, 2>}, {transform_indices = @transform_3, window_bounds = array<i64: 1, 1>}, {transform_indices = @transform_4, window_bounds = array<i64: 1, 1>}]} {
    %get3A = arith.constant 0 : index
    %get3A_0 = arith.constant 0 : index
    %get3A_1 = arith.constant 0 : index
    %get3A_2 = vector.load %arg1[%get3A, %get3A_0, %get3A_1] : memref<16x1x8192xf32, #tpu.memory_space<vmem>>, vector<16x1x8192xf32>
    %get3A_3 = arith.constant 0 : index
    %get3A_4 = arith.constant 0 : index
    %get3A_5 = arith.constant 0 : index
    %get3A_6 = vector.load %arg2[%get3A_3, %get3A_4, %get3A_5] : memref<16x1x8192xf32, #tpu.memory_space<vmem>>, vector<16x1x8192xf32>
    %mul3A = arith.mulf %get3A_2, %get3A_6 : vector<16x1x8192xf32>
    %reduce_sum3A = vector.shape_cast %mul3A : vector<16x1x8192xf32> to vector<1x16x1x8192xf32>
    %reduce_sum3A_7 = arith.constant dense<0.000000e+00> : vector<1xf32>
    %reduce_sum3A_8 = vector.multi_reduction <add>, %reduce_sum3A, %reduce_sum3A_7 [1, 2, 3] : vector<1x16x1x8192xf32> to vector<1xf32>
    %reduce_sum3A_9 = vector.shape_cast %reduce_sum3A_8 : vector<1xf32> to vector<1x1x1x1xf32>
    %reduce_sum3A_10 = vector.extract %reduce_sum3A_9[0, 0, 0, 0] : f32 from vector<1x1x1x1xf32>
    %get3A_11 = arith.constant 0 : index
    %get3A_12 = arith.constant 0 : index
    %get3A_13 = memref.load %arg3[%get3A_11, %get3A_12] : memref<1x2xf32, #tpu.memory_space<smem>>
    %div3A = arith.constant 7.680000e+02 : f32
    %div3A_14 = arith.divf %get3A_13, %div3A : f32
    %swap3A = arith.constant 0 : index
    %swap3A_15 = arith.constant 0 : index
    %swap3A_16 = memref.load %arg4[%swap3A, %swap3A_15] : memref<1x1xf32, #tpu.memory_space<smem>>
    memref.store %div3A_14, %arg4[%swap3A, %swap3A_15] : memref<1x1xf32, #tpu.memory_space<smem>>
    %get3A_17 = arith.constant 0 : index
    %get3A_18 = arith.constant 1 : index
    %get3A_19 = memref.load %arg3[%get3A_17, %get3A_18] : memref<1x2xf32, #tpu.memory_space<smem>>
    %add3A = arith.addf %reduce_sum3A_10, %get3A_19 : f32
    %div3A_20 = arith.constant 6.144000e+04 : f32
    %div3A_21 = arith.divf %add3A, %div3A_20 : f32
    %swap3A_22 = arith.constant 0 : index
    %swap3A_23 = arith.constant 0 : index
    %swap3A_24 = memref.load %arg5[%swap3A_22, %swap3A_23] : memref<1x1xf32, #tpu.memory_space<smem>>
    memref.store %div3A_21, %arg5[%swap3A_22, %swap3A_23] : memref<1x1xf32, #tpu.memory_space<smem>>
    return
  }
  func.func @transform_0(%arg0: i32) -> (i32, i32, i32) {
    %c0_i32 = arith.constant 0 : i32
    %c0_i32_0 = arith.constant 0 : i32
    %c0_i32_1 = arith.constant 0 : i32
    %c0_i32_2 = arith.constant 0 : i32
    return %c0_i32, %c0_i32_0, %c0_i32_1 : i32, i32, i32
  }
  func.func @transform_1(%arg0: i32) -> (i32, i32, i32) {
    %c0_i32 = arith.constant 0 : i32
    %c0_i32_0 = arith.constant 0 : i32
    %c0_i32_1 = arith.constant 0 : i32
    %c0_i32_2 = arith.constant 0 : i32
    return %c0_i32, %c0_i32_0, %c0_i32_1 : i32, i32, i32
  }
  func.func @transform_2(%arg0: i32) -> (i32, i32) {
    %c0_i32 = arith.constant 0 : i32
    %c0_i32_0 = arith.constant 0 : i32
    %c0_i32_1 = arith.constant 0 : i32
    return %c0_i32, %c0_i32_0 : i32, i32
  }
  func.func @transform_3(%arg0: i32) -> (i32, i32) {
    %c0_i32 = arith.constant 0 : i32
    %c0_i32_0 = arith.constant 0 : i32
    %c0_i32_1 = arith.constant 0 : i32
    return %c0_i32, %c0_i32_0 : i32, i32
  }
  func.func @transform_4(%arg0: i32) -> (i32, i32) {
    %c0_i32 = arith.constant 0 : i32
    %c0_i32_0 = arith.constant 0 : i32
    %c0_i32_1 = arith.constant 0 : i32
    return %c0_i32, %c0_i32_0 : i32, i32
  }
}

module attributes {stable_mosaic.version = 14 : i64} {
  func.func @_tc_body(%arg0: i32, %arg1: memref<1x80x8192xf32, #tpu.memory_space<vmem>>, %arg2: memref<1x80x8192xf32, #tpu.memory_space<vmem>>, %arg3: memref<1x3x64xf32, #tpu.memory_space<vmem>>, %arg4: memref<1x2xf32, #tpu.memory_space<smem>>, %arg5: memref<1x1x8192xf32, #tpu.memory_space<vmem>>, %arg6: memref<2xf32, #tpu.memory_space<smem>>) attributes {dimension_semantics = [#tpu.dimension_semantics<arbitrary>], iteration_bounds = array<i64: 16>, scalar_prefetch = 0 : i64, scratch_operands = 1 : i64, tpu.core_type = #tpu.core_type<tc>, window_params = [{transform_indices = @transform_0, window_bounds = array<i64: 1, 80, 8192>}, {transform_indices = @transform_1, window_bounds = array<i64: 1, 80, 8192>}, {transform_indices = @transform_2, window_bounds = array<i64: 1, 3, 64>}, {transform_indices = @transform_3, window_bounds = array<i64: 1, 2>}, {transform_indices = @transform_4, window_bounds = array<i64: 1, 1, 8192>}]} {
    %eq3A = arith.constant 0 : i32
    %eq3A_0 = arith.cmpi eq, %arg0, %eq3A : i32
    %convert_element_type3A = arith.extui %eq3A_0 : i1 to i32
    %cond3A = arith.constant 0 : i32
    %cond3A_1 = arith.cmpi ne, %convert_element_type3A, %cond3A : i32
    scf.if %cond3A_1 {
      %swap3A_241 = arith.constant 0.000000e+00 : f32
      %swap3A_242 = arith.constant 0 : index
      %swap3A_243 = memref.load %arg6[%swap3A_242] : memref<2xf32, #tpu.memory_space<smem>>
      memref.store %swap3A_241, %arg6[%swap3A_242] : memref<2xf32, #tpu.memory_space<smem>>
      %swap3A_244 = arith.constant 0.000000e+00 : f32
      %swap3A_245 = arith.constant 1 : index
      %swap3A_246 = memref.load %arg6[%swap3A_245] : memref<2xf32, #tpu.memory_space<smem>>
      memref.store %swap3A_244, %arg6[%swap3A_245] : memref<2xf32, #tpu.memory_space<smem>>
    } else {
    }
    %get3A = arith.constant 0 : index
    %get3A_2 = arith.constant 0 : index
    %get3A_3 = arith.constant 0 : index
    %get3A_4 = vector.load %arg1[%get3A, %get3A_2, %get3A_3] : memref<1x80x8192xf32, #tpu.memory_space<vmem>>, vector<1x80x8192xf32>
    %get3A_5 = vector.shape_cast %get3A_4 : vector<1x80x8192xf32> to vector<80x8192xf32>
    %jit3A = arith.constant 9.99999974E-5 : f32
    %jit3A_6 = arith.constant 0.999899983 : f32
    %max3A = vector.broadcast %jit3A : f32 to vector<80x8192xf32>
    %max3A_7 = arith.maximumf %max3A, %get3A_5 : vector<80x8192xf32>
    %min3A = vector.broadcast %jit3A_6 : f32 to vector<80x8192xf32>
    %min3A_8 = arith.minimumf %min3A, %max3A_7 : vector<80x8192xf32>
    %mul3A = arith.mulf %min3A_8, %min3A_8 : vector<80x8192xf32>
    %sub3A = arith.constant 1.000000e+00 : f32
    %sub3A_9 = vector.broadcast %sub3A : f32 to vector<80x8192xf32>
    %sub3A_10 = arith.subf %sub3A_9, %min3A_8 : vector<80x8192xf32>
    %log3A = math.log %sub3A_10 : vector<80x8192xf32>
    %mul3A_11 = arith.mulf %mul3A, %log3A : vector<80x8192xf32>
    %reduce_sum3A = vector.shape_cast %mul3A_11 : vector<80x8192xf32> to vector<1x80x8192xf32>
    %reduce_sum3A_12 = arith.constant dense<0.000000e+00> : vector<1xf32>
    %reduce_sum3A_13 = vector.multi_reduction <add>, %reduce_sum3A, %reduce_sum3A_12 [1, 2] : vector<1x80x8192xf32> to vector<1xf32>
    %reduce_sum3A_14 = vector.shape_cast %reduce_sum3A_13 : vector<1xf32> to vector<1x1x1xf32>
    %reduce_sum3A_15 = vector.extract %reduce_sum3A_14[0, 0, 0] : f32 from vector<1x1x1xf32>
    %get3A_16 = arith.constant 0 : index
    %get3A_17 = arith.constant 0 : index
    %get3A_18 = arith.constant 0 : index
    %get3A_19 = vector.load %arg3[%get3A_16, %get3A_17, %get3A_18] : memref<1x3x64xf32, #tpu.memory_space<vmem>>, vector<1x3x64xf32>
    %get3A_20 = vector.shape_cast %get3A_19 : vector<1x3x64xf32> to vector<3x64xf32>
    %slice3A = vector.extract_strided_slice %get3A_20 {offsets = [0, 0], sizes = [1, 64], strides = [1, 1]} : vector<3x64xf32> to vector<1x64xf32>
    %slice3A_21 = vector.extract_strided_slice %get3A_20 {offsets = [1, 0], sizes = [1, 64], strides = [1, 1]} : vector<3x64xf32> to vector<1x64xf32>
    %slice3A_22 = vector.extract_strided_slice %get3A_20 {offsets = [2, 0], sizes = [1, 64], strides = [1, 1]} : vector<3x64xf32> to vector<1x64xf32>
    %add3A = arith.addf %slice3A, %slice3A_21 : vector<1x64xf32>
    %mul3A_23 = arith.constant 5.000000e-01 : f32
    %mul3A_24 = vector.broadcast %mul3A_23 : f32 to vector<1x64xf32>
    %mul3A_25 = arith.mulf %add3A, %mul3A_24 : vector<1x64xf32>
    %mul3A_26 = arith.constant 1.000000e+02 : f32
    %mul3A_27 = vector.broadcast %mul3A_26 : f32 to vector<1x64xf32>
    %mul3A_28 = arith.mulf %mul3A_25, %mul3A_27 : vector<1x64xf32>
    %convert_element_type3A_29 = arith.fptosi %mul3A_28 : vector<1x64xf32> to vector<1x64xi32>
    %convert_element_type3A_30 = arith.sitofp %convert_element_type3A_29 : vector<1x64xi32> to vector<1x64xf32>
    %convert_element_type3A_31 = arith.fptosi %slice3A_22 : vector<1x64xf32> to vector<1x64xi32>
    %convert_element_type3A_32 = arith.sitofp %convert_element_type3A_31 : vector<1x64xi32> to vector<1x64xf32>
    %iota3A = tpu.iota {dimensions = array<i32: 1>} : vector<1x64xi32>
    %lt3A = arith.constant 48 : i32
    %lt3A_33 = vector.broadcast %lt3A : i32 to vector<1x64xi32>
    %lt3A_34 = arith.cmpi slt, %iota3A, %lt3A_33 : vector<1x64xi32>
    %convert_element_type3A_35 = arith.extui %lt3A_34 : vector<1x64xi1> to vector<1x64xi32>
    %convert_element_type3A_36 = arith.sitofp %convert_element_type3A_35 : vector<1x64xi32> to vector<1x64xf32>
    %mul3A_37 = arith.constant 8.000000e+01 : f32
    %mul3A_38 = vector.broadcast %mul3A_37 : f32 to vector<1x64xf32>
    %mul3A_39 = arith.mulf %convert_element_type3A_30, %mul3A_38 : vector<1x64xf32>
    %add3A_40 = arith.addf %mul3A_39, %convert_element_type3A_32 : vector<1x64xf32>
    %iota3A_41 = tpu.iota {dimensions = array<i32: 0>} : vector<64x64xi32>
    %iota3A_42 = tpu.iota {dimensions = array<i32: 1>} : vector<64x64xi32>
    %eq3A_43 = arith.cmpi eq, %iota3A_41, %iota3A_42 : vector<64x64xi32>
    %convert_element_type3A_44 = arith.extui %eq3A_43 : vector<64x64xi1> to vector<64x64xi32>
    %convert_element_type3A_45 = arith.sitofp %convert_element_type3A_44 : vector<64x64xi32> to vector<64x64xf32>
    %mul3A_46 = vector.broadcast %add3A_40 : vector<1x64xf32> to vector<64x64xf32>
    %mul3A_47 = arith.mulf %convert_element_type3A_45, %mul3A_46 : vector<64x64xf32>
    %reduce_sum3A_48 = arith.constant dense<0.000000e+00> : vector<64xf32>
    %reduce_sum3A_49 = vector.multi_reduction <add>, %mul3A_47, %reduce_sum3A_48 [1] : vector<64x64xf32> to vector<64xf32>
    %broadcast_in_dim3A = vector.shape_cast %reduce_sum3A_49 : vector<64xf32> to vector<64x1xf32>
    %mul3A_50 = vector.broadcast %convert_element_type3A_30 : vector<1x64xf32> to vector<64x64xf32>
    %mul3A_51 = arith.mulf %convert_element_type3A_45, %mul3A_50 : vector<64x64xf32>
    %reduce_sum3A_52 = arith.constant dense<0.000000e+00> : vector<64xf32>
    %reduce_sum3A_53 = vector.multi_reduction <add>, %mul3A_51, %reduce_sum3A_52 [1] : vector<64x64xf32> to vector<64xf32>
    %broadcast_in_dim3A_54 = vector.shape_cast %reduce_sum3A_53 : vector<64xf32> to vector<64x1xf32>
    %mul3A_55 = vector.broadcast %convert_element_type3A_36 : vector<1x64xf32> to vector<64x64xf32>
    %mul3A_56 = arith.mulf %convert_element_type3A_45, %mul3A_55 : vector<64x64xf32>
    %reduce_sum3A_57 = arith.constant dense<0.000000e+00> : vector<64xf32>
    %reduce_sum3A_58 = vector.multi_reduction <add>, %mul3A_56, %reduce_sum3A_57 [1] : vector<64x64xf32> to vector<64xf32>
    %broadcast_in_dim3A_59 = vector.shape_cast %reduce_sum3A_58 : vector<64xf32> to vector<64x1xf32>
    %iota3A_60 = tpu.iota {dimensions = array<i32: 0>} : vector<64x64xi32>
    %iota3A_61 = tpu.iota {dimensions = array<i32: 1>} : vector<64x64xi32>
    %eq3A_62 = vector.broadcast %broadcast_in_dim3A : vector<64x1xf32> to vector<64x64xf32>
    %eq3A_63 = vector.broadcast %add3A_40 : vector<1x64xf32> to vector<64x64xf32>
    %eq3A_64 = arith.cmpf oeq, %eq3A_62, %eq3A_63 : vector<64x64xf32>
    %lt3A_65 = arith.cmpi slt, %iota3A_60, %iota3A_61 : vector<64x64xi32>
    %and3A = arith.andi %eq3A_64, %lt3A_65 : vector<64x64xi1>
    %gt3A = arith.constant 0.000000e+00 : f32
    %gt3A_66 = vector.broadcast %gt3A : f32 to vector<64x1xf32>
    %gt3A_67 = arith.cmpf ogt, %broadcast_in_dim3A_59, %gt3A_66 : vector<64x1xf32>
    %and3A_68 = vector.broadcast %gt3A_67 : vector<64x1xi1> to vector<64x64xi1>
    %and3A_69 = arith.andi %and3A, %and3A_68 : vector<64x64xi1>
    %convert_element_type3A_70 = arith.extui %and3A_69 : vector<64x64xi1> to vector<64x64xi32>
    %convert_element_type3A_71 = arith.sitofp %convert_element_type3A_70 : vector<64x64xi32> to vector<64x64xf32>
    %reduce_sum3A_72 = arith.constant dense<0.000000e+00> : vector<64xf32>
    %reduce_sum3A_73 = vector.multi_reduction <add>, %convert_element_type3A_71, %reduce_sum3A_72 [0] : vector<64x64xf32> to vector<64xf32>
    %broadcast_in_dim3A_74 = vector.shape_cast %reduce_sum3A_73 : vector<64xf32> to vector<1x64xf32>
    %eq3A_75 = arith.constant 0.000000e+00 : f32
    %eq3A_76 = vector.broadcast %eq3A_75 : f32 to vector<1x64xf32>
    %eq3A_77 = arith.cmpf oeq, %broadcast_in_dim3A_74, %eq3A_76 : vector<1x64xf32>
    %convert_element_type3A_78 = arith.extui %eq3A_77 : vector<1x64xi1> to vector<1x64xi32>
    %convert_element_type3A_79 = arith.sitofp %convert_element_type3A_78 : vector<1x64xi32> to vector<1x64xf32>
    %mul3A_80 = arith.mulf %convert_element_type3A_36, %convert_element_type3A_79 : vector<1x64xf32>
    %eq3A_81 = vector.broadcast %broadcast_in_dim3A_54 : vector<64x1xf32> to vector<64x64xf32>
    %eq3A_82 = vector.broadcast %convert_element_type3A_30 : vector<1x64xf32> to vector<64x64xf32>
    %eq3A_83 = arith.cmpf oeq, %eq3A_81, %eq3A_82 : vector<64x64xf32>
    %gt3A_84 = arith.constant 0.000000e+00 : f32
    %gt3A_85 = vector.broadcast %gt3A_84 : f32 to vector<64x1xf32>
    %gt3A_86 = arith.cmpf ogt, %broadcast_in_dim3A_59, %gt3A_85 : vector<64x1xf32>
    %and3A_87 = vector.broadcast %gt3A_86 : vector<64x1xi1> to vector<64x64xi1>
    %and3A_88 = arith.andi %eq3A_83, %and3A_87 : vector<64x64xi1>
    %convert_element_type3A_89 = arith.extui %and3A_88 : vector<64x64xi1> to vector<64x64xi32>
    %convert_element_type3A_90 = arith.sitofp %convert_element_type3A_89 : vector<64x64xi32> to vector<64x64xf32>
    %reduce_sum3A_91 = arith.constant dense<0.000000e+00> : vector<64xf32>
    %reduce_sum3A_92 = vector.multi_reduction <add>, %convert_element_type3A_90, %reduce_sum3A_91 [0] : vector<64x64xf32> to vector<64xf32>
    %broadcast_in_dim3A_93 = vector.shape_cast %reduce_sum3A_92 : vector<64xf32> to vector<1x64xf32>
    %mul3A_94 = vector.broadcast %mul3A_80 : vector<1x64xf32> to vector<64x64xf32>
    %mul3A_95 = arith.mulf %convert_element_type3A_45, %mul3A_94 : vector<64x64xf32>
    %reduce_sum3A_96 = arith.constant dense<0.000000e+00> : vector<64xf32>
    %reduce_sum3A_97 = vector.multi_reduction <add>, %mul3A_95, %reduce_sum3A_96 [1] : vector<64x64xf32> to vector<64xf32>
    %broadcast_in_dim3A_98 = vector.shape_cast %reduce_sum3A_97 : vector<64xf32> to vector<64x1xf32>
    %slice3A_99 = vector.extract_strided_slice %broadcast_in_dim3A_98 {offsets = [0, 0], sizes = [48, 1], strides = [1, 1]} : vector<64x1xf32> to vector<48x1xf32>
    %mul3A_100 = vector.broadcast %broadcast_in_dim3A_93 : vector<1x64xf32> to vector<64x64xf32>
    %mul3A_101 = arith.mulf %convert_element_type3A_45, %mul3A_100 : vector<64x64xf32>
    %reduce_sum3A_102 = arith.constant dense<0.000000e+00> : vector<64xf32>
    %reduce_sum3A_103 = vector.multi_reduction <add>, %mul3A_101, %reduce_sum3A_102 [1] : vector<64x64xf32> to vector<64xf32>
    %broadcast_in_dim3A_104 = vector.shape_cast %reduce_sum3A_103 : vector<64xf32> to vector<64x1xf32>
    %slice3A_105 = vector.extract_strided_slice %broadcast_in_dim3A_104 {offsets = [0, 0], sizes = [48, 1], strides = [1, 1]} : vector<64x1xf32> to vector<48x1xf32>
    %mul3A_106 = vector.broadcast %convert_element_type3A_32 : vector<1x64xf32> to vector<64x64xf32>
    %mul3A_107 = arith.mulf %convert_element_type3A_45, %mul3A_106 : vector<64x64xf32>
    %reduce_sum3A_108 = arith.constant dense<0.000000e+00> : vector<64xf32>
    %reduce_sum3A_109 = vector.multi_reduction <add>, %mul3A_107, %reduce_sum3A_108 [1] : vector<64x64xf32> to vector<64xf32>
    %broadcast_in_dim3A_110 = vector.shape_cast %reduce_sum3A_109 : vector<64xf32> to vector<64x1xf32>
    %slice3A_111 = vector.extract_strided_slice %broadcast_in_dim3A_110 {offsets = [0, 0], sizes = [48, 1], strides = [1, 1]} : vector<64x1xf32> to vector<48x1xf32>
    %convert_element_type3A_112 = arith.fptosi %slice3A_111 : vector<48x1xf32> to vector<48x1xi32>
    %slice3A_113 = vector.extract_strided_slice %broadcast_in_dim3A_54 {offsets = [0, 0], sizes = [48, 1], strides = [1, 1]} : vector<64x1xf32> to vector<48x1xf32>
    %convert_element_type3A_114 = arith.fptosi %slice3A_113 : vector<48x1xf32> to vector<48x1xi32>
    %iota3A_115 = tpu.iota {dimensions = array<i32: 1>} : vector<48x80xi32>
    %eq3A_116 = vector.broadcast %convert_element_type3A_112 : vector<48x1xi32> to vector<48x80xi32>
    %eq3A_117 = arith.cmpi eq, %iota3A_115, %eq3A_116 : vector<48x80xi32>
    %convert_element_type3A_118 = arith.extui %eq3A_117 : vector<48x80xi1> to vector<48x80xi32>
    %convert_element_type3A_119 = arith.sitofp %convert_element_type3A_118 : vector<48x80xi32> to vector<48x80xf32>
    %iota3A_120 = tpu.iota {dimensions = array<i32: 1>} : vector<48x8192xi32>
    %eq3A_121 = vector.broadcast %convert_element_type3A_114 : vector<48x1xi32> to vector<48x8192xi32>
    %eq3A_122 = arith.cmpi eq, %iota3A_120, %eq3A_121 : vector<48x8192xi32>
    %dot_general3A = arith.constant dense<0.000000e+00> : vector<48x8192xf32>
    %dot_general3A_123 = tpu.matmul %convert_element_type3A_119, %min3A_8, %dot_general3A {dimension_numbers = #tpu.dot_dimension_numbers<[1], [0], [0], [1], [0, 0, 1, 1], [], []>, precision = #tpu.contract_precision<fp32>, transpose_lhs_hint = false} : vector<48x80xf32>, vector<80x8192xf32>, vector<48x8192xf32> -> vector<48x8192xf32>
    %jit3A_124 = arith.constant 0.000000e+00 : f32
    %broadcast_in_dim3A_125 = vector.broadcast %jit3A_124 : f32 to vector<48x8192xf32>
    %select_n3A = arith.select %eq3A_122, %dot_general3A_123, %broadcast_in_dim3A_125 : vector<48x8192xi1>, vector<48x8192xf32>
    %reduce_sum3A_126 = arith.constant dense<0.000000e+00> : vector<48xf32>
    %reduce_sum3A_127 = vector.multi_reduction <add>, %select_n3A, %reduce_sum3A_126 [1] : vector<48x8192xf32> to vector<48xf32>
    %broadcast_in_dim3A_128 = vector.shape_cast %reduce_sum3A_127 : vector<48xf32> to vector<48x1xf32>
    %get3A_129 = arith.constant 0 : index
    %get3A_130 = arith.constant 0 : index
    %get3A_131 = arith.constant 0 : index
    %get3A_132 = vector.load %arg2[%get3A_129, %get3A_130, %get3A_131] : memref<1x80x8192xf32, #tpu.memory_space<vmem>>, vector<1x80x8192xf32>
    %get3A_133 = vector.shape_cast %get3A_132 : vector<1x80x8192xf32> to vector<80x8192xf32>
    %dot_general3A_134 = arith.constant dense<0.000000e+00> : vector<48x8192xf32>
    %dot_general3A_135 = tpu.matmul %convert_element_type3A_119, %get3A_133, %dot_general3A_134 {dimension_numbers = #tpu.dot_dimension_numbers<[1], [0], [0], [1], [0, 0, 1, 1], [], []>, precision = #tpu.contract_precision<fp32>, transpose_lhs_hint = false} : vector<48x80xf32>, vector<80x8192xf32>, vector<48x8192xf32> -> vector<48x8192xf32>
    %jit3A_136 = arith.constant 0.000000e+00 : f32
    %broadcast_in_dim3A_137 = vector.broadcast %jit3A_136 : f32 to vector<48x8192xf32>
    %select_n3A_138 = arith.select %eq3A_122, %dot_general3A_135, %broadcast_in_dim3A_137 : vector<48x8192xi1>, vector<48x8192xf32>
    %reduce_sum3A_139 = arith.constant dense<0.000000e+00> : vector<48xf32>
    %reduce_sum3A_140 = vector.multi_reduction <add>, %select_n3A_138, %reduce_sum3A_139 [1] : vector<48x8192xf32> to vector<48xf32>
    %broadcast_in_dim3A_141 = vector.shape_cast %reduce_sum3A_140 : vector<48xf32> to vector<48x1xf32>
    %abs3A = math.absf %get3A_133 : vector<80x8192xf32>
    %le3A = arith.constant 1.000000e+00 : f32
    %le3A_142 = vector.broadcast %le3A : f32 to vector<80x8192xf32>
    %le3A_143 = arith.cmpf ole, %abs3A, %le3A_142 : vector<80x8192xf32>
    %mul3A_144 = arith.constant 5.000000e-01 : f32
    %mul3A_145 = vector.broadcast %mul3A_144 : f32 to vector<80x8192xf32>
    %mul3A_146 = arith.mulf %mul3A_145, %abs3A : vector<80x8192xf32>
    %mul3A_147 = arith.mulf %mul3A_146, %abs3A : vector<80x8192xf32>
    %sub3A_148 = arith.constant 5.000000e-01 : f32
    %sub3A_149 = vector.broadcast %sub3A_148 : f32 to vector<80x8192xf32>
    %sub3A_150 = arith.subf %abs3A, %sub3A_149 : vector<80x8192xf32>
    %select_n3A_151 = arith.select %le3A_143, %mul3A_147, %sub3A_150 : vector<80x8192xi1>, vector<80x8192xf32>
    %reduce_sum3A_152 = arith.constant dense<0.000000e+00> : vector<8192xf32>
    %reduce_sum3A_153 = vector.multi_reduction <add>, %select_n3A_151, %reduce_sum3A_152 [0] : vector<80x8192xf32> to vector<8192xf32>
    %broadcast_in_dim3A_154 = vector.shape_cast %reduce_sum3A_153 : vector<8192xf32> to vector<1x8192xf32>
    %swap3A = arith.constant 0 : index
    %swap3A_155 = arith.constant 0 : index
    %swap3A_156 = arith.constant 0 : index
    %swap3A_157 = vector.load %arg5[%swap3A, %swap3A_155, %swap3A_156] : memref<1x1x8192xf32, #tpu.memory_space<vmem>>, vector<1x1x8192xf32>
    %swap3A_158 = vector.shape_cast %swap3A_157 : vector<1x1x8192xf32> to vector<1x8192xf32>
    %swap3A_159 = vector.shape_cast %broadcast_in_dim3A_154 : vector<1x8192xf32> to vector<1x1x8192xf32>
    tpu.vector_store %arg5[%swap3A, %swap3A_155, %swap3A_156], %swap3A_159 {strides = array<i32>} : memref<1x1x8192xf32, #tpu.memory_space<vmem>>, vector<1x1x8192xf32>,
    %sub3A_160 = arith.constant 1.000000e+00 : f32
    %sub3A_161 = vector.broadcast %sub3A_160 : f32 to vector<48x1xf32>
    %sub3A_162 = arith.subf %sub3A_161, %broadcast_in_dim3A_128 : vector<48x1xf32>
    %mul3A_163 = arith.constant -2.500000e-01 : f32
    %mul3A_164 = vector.broadcast %mul3A_163 : f32 to vector<48x1xf32>
    %mul3A_165 = arith.mulf %mul3A_164, %sub3A_162 : vector<48x1xf32>
    %sub3A_166 = arith.constant 1.000000e+00 : f32
    %sub3A_167 = vector.broadcast %sub3A_166 : f32 to vector<48x1xf32>
    %sub3A_168 = arith.subf %sub3A_167, %broadcast_in_dim3A_128 : vector<48x1xf32>
    %mul3A_169 = arith.mulf %mul3A_165, %sub3A_168 : vector<48x1xf32>
    %log3A_170 = math.log %broadcast_in_dim3A_128 : vector<48x1xf32>
    %mul3A_171 = arith.mulf %mul3A_169, %log3A_170 : vector<48x1xf32>
    %mul3A_172 = arith.constant -7.500000e-01 : f32
    %mul3A_173 = vector.broadcast %mul3A_172 : f32 to vector<48x1xf32>
    %mul3A_174 = arith.mulf %mul3A_173, %broadcast_in_dim3A_128 : vector<48x1xf32>
    %mul3A_175 = arith.mulf %mul3A_174, %broadcast_in_dim3A_128 : vector<48x1xf32>
    %sub3A_176 = arith.constant 1.000000e+00 : f32
    %sub3A_177 = vector.broadcast %sub3A_176 : f32 to vector<48x1xf32>
    %sub3A_178 = arith.subf %sub3A_177, %broadcast_in_dim3A_128 : vector<48x1xf32>
    %log3A_179 = math.log %sub3A_178 : vector<48x1xf32>
    %mul3A_180 = arith.mulf %mul3A_175, %log3A_179 : vector<48x1xf32>
    %sub3A_181 = arith.subf %mul3A_171, %mul3A_180 : vector<48x1xf32>
    %mul3A_182 = arith.mulf %slice3A_99, %sub3A_181 : vector<48x1xf32>
    %reduce_sum3A_183 = vector.shape_cast %mul3A_182 : vector<48x1xf32> to vector<1x48x1xf32>
    %reduce_sum3A_184 = arith.constant dense<0.000000e+00> : vector<1xf32>
    %reduce_sum3A_185 = vector.multi_reduction <add>, %reduce_sum3A_183, %reduce_sum3A_184 [1, 2] : vector<1x48x1xf32> to vector<1xf32>
    %reduce_sum3A_186 = vector.shape_cast %reduce_sum3A_185 : vector<1xf32> to vector<1x1x1xf32>
    %reduce_sum3A_187 = vector.extract %reduce_sum3A_186[0, 0, 0] : f32 from vector<1x1x1xf32>
    %mul3A_188 = arith.mulf %slice3A_99, %slice3A_105 : vector<48x1xf32>
    %sub3A_189 = arith.constant 1.000000e+00 : f32
    %sub3A_190 = vector.broadcast %sub3A_189 : f32 to vector<48x1xf32>
    %sub3A_191 = arith.subf %sub3A_190, %broadcast_in_dim3A_141 : vector<48x1xf32>
    %abs3A_192 = math.absf %sub3A_191 : vector<48x1xf32>
    %le3A_193 = arith.constant 1.000000e+00 : f32
    %le3A_194 = vector.broadcast %le3A_193 : f32 to vector<48x1xf32>
    %le3A_195 = arith.cmpf ole, %abs3A_192, %le3A_194 : vector<48x1xf32>
    %mul3A_196 = arith.constant 5.000000e-01 : f32
    %mul3A_197 = vector.broadcast %mul3A_196 : f32 to vector<48x1xf32>
    %mul3A_198 = arith.mulf %mul3A_197, %abs3A_192 : vector<48x1xf32>
    %mul3A_199 = arith.mulf %mul3A_198, %abs3A_192 : vector<48x1xf32>
    %sub3A_200 = arith.constant 5.000000e-01 : f32
    %sub3A_201 = vector.broadcast %sub3A_200 : f32 to vector<48x1xf32>
    %sub3A_202 = arith.subf %abs3A_192, %sub3A_201 : vector<48x1xf32>
    %select_n3A_203 = arith.select %le3A_195, %mul3A_199, %sub3A_202 : vector<48x1xi1>, vector<48x1xf32>
    %abs3A_204 = math.absf %broadcast_in_dim3A_141 : vector<48x1xf32>
    %le3A_205 = arith.constant 1.000000e+00 : f32
    %le3A_206 = vector.broadcast %le3A_205 : f32 to vector<48x1xf32>
    %le3A_207 = arith.cmpf ole, %abs3A_204, %le3A_206 : vector<48x1xf32>
    %mul3A_208 = arith.constant 5.000000e-01 : f32
    %mul3A_209 = vector.broadcast %mul3A_208 : f32 to vector<48x1xf32>
    %mul3A_210 = arith.mulf %mul3A_209, %abs3A_204 : vector<48x1xf32>
    %mul3A_211 = arith.mulf %mul3A_210, %abs3A_204 : vector<48x1xf32>
    %sub3A_212 = arith.constant 5.000000e-01 : f32
    %sub3A_213 = vector.broadcast %sub3A_212 : f32 to vector<48x1xf32>
    %sub3A_214 = arith.subf %abs3A_204, %sub3A_213 : vector<48x1xf32>
    %select_n3A_215 = arith.select %le3A_207, %mul3A_211, %sub3A_214 : vector<48x1xi1>, vector<48x1xf32>
    %sub3A_216 = arith.subf %select_n3A_203, %select_n3A_215 : vector<48x1xf32>
    %mul3A_217 = arith.mulf %mul3A_188, %sub3A_216 : vector<48x1xf32>
    %reduce_sum3A_218 = vector.shape_cast %mul3A_217 : vector<48x1xf32> to vector<1x48x1xf32>
    %reduce_sum3A_219 = arith.constant dense<0.000000e+00> : vector<1xf32>
    %reduce_sum3A_220 = vector.multi_reduction <add>, %reduce_sum3A_218, %reduce_sum3A_219 [1, 2] : vector<1x48x1xf32> to vector<1xf32>
    %reduce_sum3A_221 = vector.shape_cast %reduce_sum3A_220 : vector<1xf32> to vector<1x1x1xf32>
    %reduce_sum3A_222 = vector.extract %reduce_sum3A_221[0, 0, 0] : f32 from vector<1x1x1xf32>
    %get3A_223 = arith.constant 0 : index
    %get3A_224 = memref.load %arg6[%get3A_223] : memref<2xf32, #tpu.memory_space<smem>>
    %mul3A_225 = arith.constant -7.500000e-01 : f32
    %mul3A_226 = arith.mulf %mul3A_225, %reduce_sum3A_15 : f32
    %add3A_227 = arith.addf %get3A_224, %mul3A_226 : f32
    %add3A_228 = arith.addf %add3A_227, %reduce_sum3A_187 : f32
    %swap3A_229 = arith.constant 0 : index
    %swap3A_230 = memref.load %arg6[%swap3A_229] : memref<2xf32, #tpu.memory_space<smem>>
    memref.store %add3A_228, %arg6[%swap3A_229] : memref<2xf32, #tpu.memory_space<smem>>
    %get3A_231 = arith.constant 1 : index
    %get3A_232 = memref.load %arg6[%get3A_231] : memref<2xf32, #tpu.memory_space<smem>>
    %add3A_233 = arith.addf %get3A_232, %reduce_sum3A_222 : f32
    %swap3A_234 = arith.constant 1 : index
    %swap3A_235 = memref.load %arg6[%swap3A_234] : memref<2xf32, #tpu.memory_space<smem>>
    memref.store %add3A_233, %arg6[%swap3A_234] : memref<2xf32, #tpu.memory_space<smem>>
    %eq3A_236 = arith.constant 15 : i32
    %eq3A_237 = arith.cmpi eq, %arg0, %eq3A_236 : i32
    %convert_element_type3A_238 = arith.extui %eq3A_237 : i1 to i32
    %cond3A_239 = arith.constant 0 : i32
    %cond3A_240 = arith.cmpi ne, %convert_element_type3A_238, %cond3A_239 : i32
    scf.if %cond3A_240 {
      %get3A_241 = arith.constant 0 : index
      %get3A_242 = memref.load %arg6[%get3A_241] : memref<2xf32, #tpu.memory_space<smem>>
      %swap3A_243 = arith.constant 0 : index
      %swap3A_244 = arith.constant 0 : index
      %swap3A_245 = memref.load %arg4[%swap3A_243, %swap3A_244] : memref<1x2xf32, #tpu.memory_space<smem>>
      memref.store %get3A_242, %arg4[%swap3A_243, %swap3A_244] : memref<1x2xf32, #tpu.memory_space<smem>>
      %get3A_246 = arith.constant 1 : index
      %get3A_247 = memref.load %arg6[%get3A_246] : memref<2xf32, #tpu.memory_space<smem>>
      %swap3A_248 = arith.constant 0 : index
      %swap3A_249 = arith.constant 1 : index
      %swap3A_250 = memref.load %arg4[%swap3A_248, %swap3A_249] : memref<1x2xf32, #tpu.memory_space<smem>>
      memref.store %get3A_247, %arg4[%swap3A_248, %swap3A_249] : memref<1x2xf32, #tpu.memory_space<smem>>
    } else {
    }
    return
  }
  func.func @transform_0(%arg0: i32) -> (i32, i32, i32) {
    %c0_i32 = arith.constant 0 : i32
    %c0_i32_0 = arith.constant 0 : i32
    %c0_i32_1 = arith.constant 0 : i32
    return %arg0, %c0_i32, %c0_i32_0 : i32, i32, i32
  }
  func.func @transform_1(%arg0: i32) -> (i32, i32, i32) {
    %c0_i32 = arith.constant 0 : i32
    %c0_i32_0 = arith.constant 0 : i32
    %c0_i32_1 = arith.constant 0 : i32
    return %arg0, %c0_i32, %c0_i32_0 : i32, i32, i32
  }
  func.func @transform_2(%arg0: i32) -> (i32, i32, i32) {
    %c0_i32 = arith.constant 0 : i32
    %c0_i32_0 = arith.constant 0 : i32
    %c0_i32_1 = arith.constant 0 : i32
    return %arg0, %c0_i32, %c0_i32_0 : i32, i32, i32
  }
  func.func @transform_3(%arg0: i32) -> (i32, i32) {
    %c0_i32 = arith.constant 0 : i32
    %c0_i32_0 = arith.constant 0 : i32
    %c0_i32_1 = arith.constant 0 : i32
    return %c0_i32, %c0_i32_0 : i32, i32
  }
  func.func @transform_4(%arg0: i32) -> (i32, i32, i32) {
    %c0_i32 = arith.constant 0 : i32
    %c0_i32_0 = arith.constant 0 : i32
    %c0_i32_1 = arith.constant 0 : i32
    return %arg0, %c0_i32, %c0_i32_0 : i32, i32, i32
  }
}

</mosaic_0001>

<sc_bundles>
// kernel: kernel.5.cloned.1.call-start
scs
__scs_entry_jumppad:
0x0: {  	(pc) =	sbr.rel $0x88, $3  }
0x1: {  	(tag) =	ssettag $0x0;
	lr =	simm.s32 $0x1  }
0x2: {  	[smem:$0x3F9E] =	sst lr;
	_ =	strace $0xD0000000  }
0x3: {  	_ = 	snop  }
0x4: {  	_ = 	snop  }
0x5: {  	_ = 	snop  }
0x6: {  	_ = 	snop  }
0x7: {  	_ = 	snop  }
__scs_overlays_trampoline_lowered:
0x8: {  	[smem:$0x3FAD] =	sst s0  }
0x9: {  	[smem:$0x3FAE] =	sst s1  }
0xa: {  	[smem:$0x3FAF] =	sst s2  }
0xb: {  	[smem:$0x3FB0] =	sst s3  }
0xc: {  	[smem:$0x3FB1] =	sst s4  }
0xd: {  	[smem:$0x3FB2] =	sst s5  }
0xe: {  	[smem:$0x3FB3] =	sst s6  }
0xf: {  	[smem:$0x3FB4] =	sst s7  }
0x10: {  	[smem:$0x3FB5] =	sst s8  }
0x11: {  	[smem:$0x3FB6] =	sst s9;
	s0 =	simm.s32 @!p0 $0x0  }
0x12: {  	s1 =	sld [smem:$0x3F9C];
	s0 =	simm.s32 @p0 $0x1  }
0x13: {  	[smem:$0x3FB7] =	sst s0;
	s0 =	simm.s32 @!p1 $0x0  }
0x14: {  	s2 =	sld [smem:$0x3F9B];
	s0 =	simm.s32 @p1 $0x1  }
0x15: {  	[smem:$0x3FB8] =	sst s0;
	s0 =	simm.s32 @!p2 $0x0  }
0x16: {  	s3 =	sld [smem:$0x3FDB];
	s0 =	simm.s32 @p2 $0x1  }
0x17: {  	s4 =	simm.s32 $0x1BF5;
	[smem:$0x3FBA] =	sst s0  }
0x18: {  	s0 =	sld [smem:$0x3F9D];
	_ =	swait.ge [sflag:s4], $0x0  }
0x19: {  	s7 =	sld [smem:$0x3F9E]  }
0x1a: {  	s8 =	sadd.s32 $0xFFFFE003, lr  }
0x1b: {  	s9 =	sadd.s32 $0xFFFFFEF7, lr;
	s5 =	simm.s32 $0xFFFFFFFF;
	p2 =	slt.u32 s8, $0xFFFFF086  }
0x1c: {  	p1 =	slt.u32 s9, $0xF7A;
	s5 =	simm.s32 @!p2 $0x0  }
0x1d: {  	s5 =	simm.s32 @p1 $0x1;
	p0 =	seq.s32 s7, s2  }
0x1e: {  	s7 =	smul.u32 @!p0 $0xF7A, s2;
	p2 =	seq.s32 @!p0 s5, $0x0  }
0x1f: {  	s9 =	smul.u32 $0xF7A, s1;
	s8 =	simm.s32 @!p0 $0x1BF5;
	p2 =	por !p2, p0  }
0x20: {  	[sflag:s8] =	ssyncset.s32 @!p0 $0xFFFFF086;
	s6 =	sadd.s32 @!p0 s3, s7;
	s7 =	simm.s32 @!p0 $0x108  }
0x21: {  	s3 =	sadd.s32 s3, s9;
	s6 =	sadd.s32 @!p0 $0x88, s6;
	s7 =	simm.s32 @p2 $0x1082  }
0x22: {  	[simem:s7], [sflag:s8] =	dma.local @!p0 [hbm:s6], $0xF7A  }
0x23: {  	s9 =	sor.u32 $0xD0000000, s2;
	s6 =	simm.s32 $0x108;
	_ =	swait.ge @!p0 [sflag:s8], $0x0  }
0x24: {  	s3 =	sadd.s32 $0x88, s3;
	s6 =	simm.s32 @!p1 $0x1082;
	[sflag:s4] =	ssyncset.s32 $0xFFFFF086  }
0x25: {  	[simem:s6], [sflag:s4] =	dma.local [hbm:s3], $0xF7A  }
0x26: {  	[smem:$0x3F9E] =	sst s1;
	(tag) =	ssettag s2;
	_ =	strace s9  }
0x27: {  	s1 =	sld [smem:$0x3FAE]  }
0x28: {  	s2 =	sld [smem:$0x3FAF]  }
0x29: {  	s4 =	sld [smem:$0x3FB1]  }
0x2a: {  	p0 =	seq.s32 s5, $0x0;
	s5 =	sld [smem:$0x3FB2]  }
0x2b: {  	s6 =	sld [smem:$0x3FB3]  }
0x2c: {  	s7 =	sld [smem:$0x3FB4]  }
0x2d: {  	s3 =	simm.s32 $0x108;
	s8 =	sld [smem:$0x3FB5]  }
0x2e: {  	s3 =	simm.s32 @!p0 $0x1082;
	s9 =	sld [smem:$0x3FB6]  }
0x2f: {  	lr =	sadd.s32 s0, s3;
	s0 =	sld [smem:$0x3FAD]  }
0x30: {  	s3 =	sld [smem:$0x3FB0]  }
0x31: {  	[smem:$0x3FB9] =	sst s10  }
0x32: {  	s10 =	sld [smem:$0x3FB7];
	_ =	sdelay $0x3  }
0x33: {  	p0 =	seq.s32 s10, $0x1;
	s10 =	sld [smem:$0x3FB9];
	_ =	sdelay $0x3  }
0x34: {  	[smem:$0x3FB9] =	sst s10  }
0x35: {  	s10 =	sld [smem:$0x3FB8];
	_ =	sdelay $0x3  }
0x36: {  	p1 =	seq.s32 s10, $0x1;
	s10 =	sld [smem:$0x3FB9];
	_ =	sdelay $0x3  }
0x37: {  	[smem:$0x3FB9] =	sst s10  }
0x38: {  	s10 =	sld [smem:$0x3FBA]  }
0x39: {  	_ = 	snop;
	(pc) =	sbr.ind lr, $3  }
0x3a: {  	_ = 	snop  }
0x3b: {  	_ = 	snop  }
0x3c: {  	p2 =	seq.s32 s10, $0x1;
	s10 =	sld [smem:$0x3FB9]  }
0x3d: {  	_ =	shalt  }
0x3e: {  	_ =	shalt  }
0x3f: {  	_ =	shalt  }
0x40: {  	_ =	shalt  }
0x41: {  	_ =	shalt  }
0x42: {  	_ =	shalt  }
0x43: {  	_ =	shalt  }
0x44: {  	_ =	shalt  }
0x45: {  	_ =	shalt  }
0x46: {  	_ =	shalt  }
0x47: {  	_ =	shalt  }
0x48: {  	_ =	shalt  }
0x49: {  	_ =	shalt  }
0x4a: {  	_ =	shalt  }
0x4b: {  	_ =	shalt  }
0x4c: {  	_ =	shalt  }
0x4d: {  	_ =	shalt  }
0x4e: {  	_ =	shalt  }
0x4f: {  	_ =	shalt  }
0x50: {  	_ =	shalt  }
0x51: {  	_ =	shalt  }
0x52: {  	_ =	shalt  }
0x53: {  	_ =	shalt  }
0x54: {  	_ =	shalt  }
0x55: {  	_ =	shalt  }
0x56: {  	_ =	shalt  }
0x57: {  	_ =	shalt  }
0x58: {  	_ =	shalt  }
0x59: {  	_ =	shalt  }
0x5a: {  	_ =	shalt  }
0x5b: {  	_ =	shalt  }
0x5c: {  	_ =	shalt  }
0x5d: {  	_ =	shalt  }
0x5e: {  	_ =	shalt  }
0x5f: {  	_ =	shalt  }
0x60: {  	_ =	shalt  }
0x61: {  	_ =	shalt  }
0x62: {  	_ =	shalt  }
0x63: {  	_ =	shalt  }
0x64: {  	_ =	shalt  }
0x65: {  	_ =	shalt  }
0x66: {  	_ =	shalt  }
0x67: {  	_ =	shalt  }
0x68: {  	_ =	shalt  }
0x69: {  	_ =	shalt  }
0x6a: {  	_ =	shalt  }
0x6b: {  	_ =	shalt  }
0x6c: {  	_ =	shalt  }
0x6d: {  	_ =	shalt  }
0x6e: {  	_ =	shalt  }
0x6f: {  	_ =	shalt  }
0x70: {  	_ =	shalt  }
0x71: {  	_ =	shalt  }
0x72: {  	_ =	shalt  }
0x73: {  	_ =	shalt  }
0x74: {  	_ =	shalt  }
0x75: {  	_ =	shalt  }
0x76: {  	_ =	shalt  }
0x77: {  	_ =	shalt  }
0x78: {  	_ =	shalt  }
0x79: {  	_ =	shalt  }
0x7a: {  	_ =	shalt  }
0x7b: {  	_ =	shalt  }
0x7c: {  	_ =	shalt  }
0x7d: {  	_ =	shalt  }
0x7e: {  	_ =	shalt  }
0x7f: {  	_ =	shalt  }
0x80: {  	_ =	shalt  }
0x81: {  	_ =	shalt  }
0x82: {  	_ =	shalt  }
0x83: {  	_ =	shalt  }
0x84: {  	_ =	shalt  }
0x85: {  	_ =	shalt  }
0x86: {  	_ =	shalt  }
0x87: {  	_ =	shalt  }
.Lfunc_end0:
.L_simem_size_0:
called_computation_lowered:
.L_overlay_start_0:
0x88: {  	s2 =	sld [smem:$0x3FD9]  }
0x89: {  	s3 =	sld [smem:$0x3FFE];
	_ =	sdelay $0x1  }
0x8a: {  	s1 =	srdreg.scid  }
0x8b: {  	s0 =	sand.u32 $0x1, s1  }
0x8c: {  	s16 =	sshll.u32 s0, $0xA;
	s2 =	sadd.s32 s3, s2  }
0x8d: {  	s2 =	sadd.s32 s2, s16  }
0x8e: {  	[smem:$0x3FC5] =	sst s2  }
0x8f: {  	_ = 	snop  }
0x90: {  	(tm) =	ssettm $0x1  }
0x91: {  	s17 =	sld [smem:$0x3FFB];
	_ =	sdelay $0x3  }
0x92: {  	_ =	strace s17  }
0x93: {  	s2 =	sld [smem:$0x3FFC];
	_ =	sdelay $0x3  }
0x94: {  	_ =	strace s2  }
0x95: {  	s2 =	sld [smem:$0x3FFD];
	_ =	sdelay $0x3  }
0x96: {  	_ =	strace s2  }
0x97: {  	_ =	strace $0x8FFFFFFF  }
0x98: {  	s18 =	sld [smem:$0x3FDB];
	_ =	sdelay $0x1  }
0x99: {  	s19 =	simm.s32 $_scs_section_size  }
0x9a: {  	s4 =	simm.s32 $_size__tile_overlayer_lowered;
	s5 =	simm.s32 $_tile_overlayer_lowered  }
0x9b: {  	s22 =	simm.s32 $0x1BFF;
	s21 =	sshll.u32 s5, $0x1;
	s2 =	sadd.s32 s19, s18  }
0x9c: {  	s6 =	simm.s32 $0x0;
	s20 =	sshll.u32 s4, $0x1;
	s4 =	sadd.s32 s21, s2  }
0x9d: {  	[timem:s6], [sflag:s22] =	dma.local [hbm:s4], s20  }
0x9e: {  	_ =	swait.ge [sflag:s22], s20  }
0x9f: {  	s3 =	ssub.s32 $0x0, s20;
	[sflag:s22] =	ssyncset.done $0x0  }
0xa0: {  	[sflag:s22] =	ssyncadd.s32 s3;
	_ =	sdelay $0x1  }
0xa1: {  	s23 =	simm.s32 $0x1B8B  }
0xa2: {  	_ =	swait.ge [sflag:s23], $0x1  }
0xa3: {  	[sflag:s23] =	ssyncset.done $0x0  }
0xa4: {  	s25 =	simm.s32 $0x1B8E;
	s24 =	sld [smem:$0x3FFE];
	[sflag:s23] =	ssyncadd.s32 $0xFFFFFFFF  }
0xa5: {  	s26 =	simm.s32 $execute0_lowered;
	[smem:$0x3FD2] =	sst s25  }
0xa6: {  	s4 =	sshll.u32 s26, $0x1;
	_ =	strace $0x80000046;
	[dreg:$0x1] =	wrdreg $0xFFFFFFFF  }
0xa7: {  	s28 =	simm.s32 $_size_execute0_lowered;
	s2 =	sadd.s32 s2, s4;
	[dreg:$0x0] =	wrdreg $0x0  }
0xa8: {  	s4 =	sshll.u32 s28, $0x1;
	[dreg:$0x2] =	wrdreg s2  }
0xa9: {  	[dreg:$0x3] =	wrdreg s4  }
0xaa: {  	[dreg:$0x4] =	wrdreg $0xC0  }
0xab: {  	_ =	task [dreg:s6], $0x5FFFF  }
0xac: {  	[dreg:$0x1] =	wrdreg $0xFFFFFFFF  }
0xad: {  	[dreg:$0x0] =	wrdreg $0x60  }
0xae: {  	[dreg:$0x2] =	wrdreg s24  }
0xaf: {  	[dreg:$0x3] =	wrdreg $0x9  }
0xb0: {  	_ =	task.clear_ibuf [dreg:s6], $0x4FFFF;
	_ =	strace $0x90000046  }
0xb1: {  	s29 =	simm.s32 $0x9;
	_ =	strace $0x80000048  }
0xb2: {  	_ =	swait.ge [sflag:s29], $0x1  }
0xb3: {  	[sflag:s29] =	ssyncadd.s32 $0xFFFFFFFF  }
0xb4: {  	_ =	strace $0x90000048  }
0xb5: {  	_ =	sfence  }
0xb6: {  	s30 =	sld [smem:$0x0];
	_ =	sdelay $0x2  }
0xb7: {  	s31 =	sshll.u32 s1, $0xD;
	s1 =	sshrl.u32 s1, $0x2  }
0xb8: {  	s3 =	sand.u32 $0x4000, s31;
	s1 =	sadd.s32 s1, s30  }
0xb9: {  	s0 =	sor.u32 s3, s0;
	s1 =	sshll.u32 s1, $0x11  }
0xba: {  	s0 =	sor.u32 s1, s0  }
0xbb: {  	s0 =	sadd.s32 $0x8F2B, s0  }
0xbc: {  	[sflag:s0] =	ssyncadd.remote.s32 $0x1  }
0xbd: {  	_ =	sfence.sel $0xFFFF  }
0xbe: {  	[dreg:$0x0] =	wrdreg $0xFFFFFFFF;
	(pc) =	sbr.abs _section_cstart, $3  }
0xbf: {  	[dreg:$0x1] =	wrdreg $0xFFFFFFFF  }
0xc0: {  	_ =	task.clear_ibuf [dreg:s6], $0x2FFFF;
	_ =	strace $0x9FFFFFFF  }
0xc1: {  	(tm) =	ssettm $0x7FFFFFFF  }
tec
execute0_lowered:
.L_overlay_start_1:
0x0: {  	(tag) =	ssettag $0x1  }
0x1: {  	s1 =	stileid.u32  }
0x2: {  	p0 =	sgt.u32 s1, $0x7  }
.Ltmp0:
0x3: {  	_ = 	snop;
	(pc) =	sbr.rel @p0 .LBB2_3-.Ltmp0, $4  }
0x4: {  	_ = 	snop  }
0x5: {  	s4 =	rddreg [dreg:$0x0];
	s2 =	simm.s32 $0x0  }
0x6: {  	[smem:$0x7FF] =	sst s2  }
0x7: {  	s0 =	rddreg [dreg:$0x1];
	_ =	strace $0x80000047  }
0x8: {  	s3 =	srdreg.scid  }
0x9: {  	s5 =	sshll.u32 s1, $0x1;
	s3 =	sand.u32 $0x1, s3  }
0xa: {  	s5 =	sor.u32 s3, s5  }
0xb: {  	s6 =	smul.u32 $0xC0, s5  }
0xc: {  	s10 =	simm.s32 $0x40;
	s7 =	ssub.s32 $0x2, s3;
	s3 =	sadd.s32 $0xC00, s4  }
0xd: {  	s5 =	sshll.u32 s5, $0xA;
	s8 =	sshrl.u32 s7, $0x1;
	s6 =	sshrl.u32 s6, $0x3  }
0xe: {  	s9 =	sadd.s32 s5, s4;
	s7 =	ssub.s32 s7, s8;
	s6 =	sadd.s32 s6, s4  }
0xf: {  	s8 =	simm.s32 $0x80;
	s7 =	smax.u32 s7, $0x1;
	s4 =	sadd.s32 $0xA00, s6  }
0x10: {  	v0 =	vimm.f32 $1.000000000e+00;
	s5 =	sadd.s32 $0xA08, s6;
	s6 =	sadd.s32 $0x1000, s9;
	s9 =	simm.s32 $0x1  }
.LBB2_2:
0x11: {  	[tilespmem:s8], [sflag:$0x1] =	stream.linear.gather [hbm4b:s3+s2], $0x2000, $0x38;
	[tilespmem:$0x2080] =	vst v63  }
0x12: {  	_ =	swait.ge [sflag:s9], $0x2000  }
0x13: {  	[sflag:s9] =	ssyncset.done $0x0  }
0x14: {  	[sflag:s9] =	ssyncadd.s32 $0xFFFFE000  }
0x15: {  	[tilespmem:s2], [sflag:$0x1] =	stream.linear.gather [hbm4b:s4+s2], $0x40, $0x38;
	[tilespmem:$0x2080] =	vst v63  }
0x16: {  	_ =	swait.ge [sflag:s9], $0x40  }
0x17: {  	[sflag:s9] =	ssyncset.done $0x0  }
0x18: {  	[sflag:s9] =	ssyncadd.s32 $0xFFFFFFC0  }
0x19: {  	[tilespmem:s10], [sflag:$0x1] =	stream.linear.gather [hbm4b:s5+s2], $0x40, $0x38;
	[tilespmem:$0x2080] =	vst v63  }
0x1a: {  	_ =	swait.ge [sflag:s9], $0x40  }
0x1b: {  	[sflag:s9] =	ssyncset.done $0x0  }
0x1c: {  	[sflag:s9] =	ssyncadd.s32 $0xFFFFFFC0  }
0x1d: {  	v1 =	vld [tilespmem:$0x0]  }
0x1e: {  	v2 =	vld [tilespmem:$0x40];
	_ =	sdelay $0x4  }
0x1f: {  	v1 =	vadd.f32 v2, v1;
	_ =	sdelay $0x1  }
0x20: {  	v1 =	vmul.f32 $5.000000000e-01, v1;
	_ =	sdelay $0x1  }
0x21: {  	v1 =	vmul.f32 $1.000000000e+02, v1;
	_ =	sdelay $0x1  }
0x22: {  	v1 =	vtrunc.f32 v1  }
0x23: {  	v1 =	vcvt.f32.s32 v1;
	_ =	sdelay $0x5  }
0x24: {  	[tilespmem:v1+s8+$0x0] =	vst.idx.add.f32.msk $0xffff, v0  }
0x25: {  	v1 =	vld [tilespmem:$0x10]  }
0x26: {  	v2 =	vld [tilespmem:$0x50];
	_ =	sdelay $0x4  }
0x27: {  	v1 =	vadd.f32 v2, v1;
	_ =	sdelay $0x1  }
0x28: {  	v1 =	vmul.f32 $5.000000000e-01, v1;
	_ =	sdelay $0x1  }
0x29: {  	v1 =	vmul.f32 $1.000000000e+02, v1;
	_ =	sdelay $0x1  }
0x2a: {  	v1 =	vtrunc.f32 v1  }
0x2b: {  	v1 =	vcvt.f32.s32 v1;
	_ =	sdelay $0x5  }
0x2c: {  	[tilespmem:v1+s8+$0x0] =	vst.idx.add.f32.msk $0xffff, v0  }
0x2d: {  	v1 =	vld [tilespmem:$0x20]  }
0x2e: {  	v2 =	vld [tilespmem:$0x60];
	_ =	sdelay $0x4  }
0x2f: {  	v1 =	vadd.f32 v2, v1;
	_ =	sdelay $0x1  }
0x30: {  	v1 =	vmul.f32 $5.000000000e-01, v1;
	_ =	sdelay $0x1  }
0x31: {  	v1 =	vmul.f32 $1.000000000e+02, v1;
	_ =	sdelay $0x1  }
0x32: {  	v1 =	vtrunc.f32 v1  }
0x33: {  	v1 =	vcvt.f32.s32 v1;
	_ =	sdelay $0x4  }
0x34: {  	p0 =	sne.s32 s7, $0x1  }
.Ltmp1:
0x35: {  	[tilespmem:v1+s8+$0x0] =	vst.idx.add.f32.msk $0xffff, v0;
	(pc) =	sbr.rel @p0 .LBB2_2-.Ltmp1, $4  }
0x36: {  	[hbm4b:s6+s2] =	stream.linear.scatter [tilespmem:s8], [sflag:$0x1], $0x2000, $0x38;
	[tilespmem:$0x2080] =	vst v63  }
0x37: {  	_ =	swait.ge [sflag:s9], $0x2000  }
0x38: {  	[sflag:s9] =	ssyncset.done $0x0  }
0x39: {  	s7 =	sadd.s32 $0xFFFFFFFF, s7;
	[sflag:s9] =	ssyncadd.s32 $0xFFFFE000  }
.LBB2_3:
0x3a: {  	_ =	sfence.sel $0x180000  }
0x3b: {  	[bflag:$0x0] =	sbarrier.arrive $0xFFFF  }
0x3c: {  	p0 =	sne.s32 s1, $0x0;
	_ =	strace $0x90000047  }
0x3d: {  	s0 =	sadd.s32 @!p0 $0x100000, s0;
	[bflag:$0x2] =	sbarrier.arrive $0xFFFF  }
0x3e: {  	[sflag:s0] =	ssyncadd.tile.s32 @!p0 $0x1;
	_ =	shalt  }
.Lfunc_end2:
_tile_overlayer_lowered:
.L_overlay_start_2:
0x3f: {  	(tag) =	ssettag $0x2  }
0x40: {  	s0 =	rddreg [dreg:$0x0];
	s2 =	stileid.u32  }
0x41: {  	s1 =	rddreg [dreg:$0x1];
	p0 =	sne.s32 s2, $0x0  }
0x42: {  	s3 =	rddreg [dreg:$0x2];
	[bflag:$0x3] =	sbarrier.arrive $0xFFFF;
	s2 =	simm.s32 @!p0 $0x1C01  }
0x43: {  	[timem:s3], [sflag:s2] =	dma.local @!p0 [hbm:s0], s1  }
0x44: {  	s0 =	simm.s32 @!p0 $0x1  }
0x45: {  	_ =	swait.ge @!p0 [sflag:s0], s1  }
0x46: {  	s1 =	ssub.s32 @!p0 $0x0, s1;
	[sflag:s0] =	ssyncset.done @!p0 $0x0  }
0x47: {  	[sflag:s0] =	ssyncadd.s32 @!p0 s1  }
0x48: {  	[bflag:$0x3] =	sbarrier.arrive $0xFFFF  }
0x49: {  	_ =	shalt  }

</sc_bundles>
